<compile_context>
chip_gen: v7x
topology: tpu7x:2x2x1
jax: 0.10.2.dev20260603
libtpu: 0.0.44.dev20260713+nightly
codegen_flags: <defaults>
</compile_context>

<pallas_src>
import jax
import jax.numpy as jnp
import numpy as np
from jax import lax
from jax.experimental import pallas as pl
from jax.experimental.pallas import tpu as pltpu
from jax.experimental.pallas import tpu_sc as plsc

_N = 5000
_K = 4
_RF = np.float32(0.02)
_MARGIN = np.float32(0.0205)
_PAD = 5120
_XPAD = _PAD + 32
_NB = 256
_NC = 2
_NS = 16
_L = 16
_CHUNK = _PAD // _NS
_QCHUNK = _PAD // (_NC * _NS)
_INF = np.float32(np.inf)
_BIGI = np.int32(2147483647)


def _bin_of(v):
    return jnp.minimum((v * 256.0).astype(jnp.int32), 255)


def _body(x_hbm, zn0_hbm, zn1_hbm, zn2_hbm, zn3_hbm, invs_hbm,
          xchunk_v, origchunk_v, bins_v, hist_v, hists_all_v, tot_v,
          start_v, base_v, pos_v, xs_v, orig_v,
          zn0_v, zn1_v, zn2_v, zn3_v, invs_v, oidx_v,
          hists_sh, xs_sh, orig_sh):
    cid = lax.axis_index("c")
    sid = lax.axis_index("s")
    cbase = pl.multiple_of(sid * _CHUNK, _CHUNK)
    qbase = pl.multiple_of((cid * _NS + sid) * _QCHUNK, _QCHUNK)
    lane = lax.iota(jnp.int32, _L)
    oh16 = jnp.where(lane == 0, 1, 0).astype(jnp.int32)
    zero16 = jnp.zeros((_L,), jnp.int32)

    for j in range(_QCHUNK // 80):
        for t in range(80 // _L):
            oidx_v[j, pl.ds(t * _L, _L)] = qbase + j * 80 + t * _L + lane
    qsl = pl.ds(qbase, _QCHUNK)
    pltpu.sync_copy(zn0_v, zn0_hbm.at[qsl])
    pltpu.sync_copy(zn1_v, zn1_hbm.at[qsl])
    pltpu.sync_copy(zn2_v, zn2_hbm.at[qsl])
    pltpu.sync_copy(zn3_v, zn3_hbm.at[qsl])
    pltpu.sync_copy(invs_v, invs_hbm.at[qsl])


def kernel(x_f):
    x = x_f.reshape(-1)
    xp = jnp.full((_PAD,), 9.0, jnp.float32).at[:_N].set(x)
    mesh = plsc.VectorSubcoreMesh(
        core_axis_name="c", subcore_axis_name="s",
        num_cores=_NC, num_subcores=_NS)
    f = pl.kernel(
        _body,
        out_type=[jax.ShapeDtypeStruct((_PAD,), jnp.int32)] * 4
        + [jax.ShapeDtypeStruct((_PAD,), jnp.float32)],
        mesh=mesh,
        scratch_types=[
            pltpu.VMEM((_CHUNK,), jnp.float32),
            pltpu.VMEM((_CHUNK,), jnp.int32),
            pltpu.VMEM((_CHUNK,), jnp.int32),
            pltpu.VMEM((_NB + 16,), jnp.int32),
            pltpu.VMEM((_NS, _NB), jnp.int32),
            pltpu.VMEM((_NB,), jnp.int32),
            pltpu.VMEM((_NB + 32, ), jnp.int32),
            pltpu.VMEM((_NB + 16,), jnp.int32),
            pltpu.VMEM((_CHUNK // 80, 80), jnp.int32),
            pltpu.VMEM((_XPAD,), jnp.float32),
            pltpu.VMEM((_XPAD,), jnp.int32),
            pltpu.VMEM((_QCHUNK,), jnp.int32),
            pltpu.VMEM((_QCHUNK,), jnp.int32),
            pltpu.VMEM((_QCHUNK,), jnp.int32),
            pltpu.VMEM((_QCHUNK,), jnp.int32),
            pltpu.VMEM((_QCHUNK,), jnp.float32),
            pltpu.VMEM((_QCHUNK // 80, 80), jnp.int32),
            pltpu.VMEM_SHARED((_NS, _NB), jnp.int32),
            pltpu.VMEM_SHARED((_PAD,), jnp.float32),
            pltpu.VMEM_SHARED((_PAD,), jnp.int32),
        ],
    )
    zn0, zn1, zn2, zn3, invs = f(xp)
    zn = jnp.stack([zn0[:_N], zn1[:_N], zn2[:_N], zn3[:_N]], axis=1)
    return invs[:_N].reshape(_N, 1, 1), zn

# --- scband reference (transcript-rebuilt; emitter-appended) ---
"""Pipeline reference for scband-allen-cahn-gradient-free-2628519985937 (READ-ONLY COPY).

The authoritative reference and input builder live on the scoring server;
editing this copy changes nothing except your own understanding.
"""

import jax, jax.numpy as jnp
import numpy as np

N_F = 5000
N_NEIGHBOUR = 4
RADIUS = 0.02

def setup_inputs(seed: int = 0):
    key = jax.random.key(seed)
    x_f = jax.random.uniform(key, (N_F, 1), dtype=jnp.float32)
    return {"x_f": x_f}

def reference(x_f):
    N = x_f.shape[0]
    # torch.cdist(x_f, x_f)
    diff = x_f[:, None, :] - x_f[None, :, :]
    dists = jnp.sqrt(jnp.sum(diff * diff, axis=-1))
    # dists.fill_diagonal_(inf)
    ar = jnp.arange(N)
    dists = dists.at[ar, ar].set(jnp.inf)
    # mask out beyond radius
    dists_masked = jnp.where(dists > RADIUS, jnp.inf, dists)
    # torch.topk(..., largest=False) -> smallest k via top_k on negated values
    neg_vals, zn = jax.lax.top_k(-dists_masked, N_NEIGHBOUR)
    chosen_dists = -neg_vals
    is_invalid = jnp.isinf(chosen_dists)
    self_indices = jnp.broadcast_to(ar[:, None], zn.shape)
    zn = jnp.where(is_invalid, self_indices, zn)
    # inverse_index body
    neighbors = x_f[zn].squeeze(-1)            # [N, k]
    center = x_f.squeeze(-1)[:, None]          # [N, 1]
    dx = neighbors - center                    # [N, k]
    cov = jnp.einsum('nk,nk->n', dx, dx).reshape(N, 1, 1)
    cov = cov + 1e-08 * jnp.eye(1, dtype=x_f.dtype)[None, :, :]
    invs = jnp.linalg.inv(cov)
    return invs, zn

if __name__ == "__main__":
    import jax
    _d = setup_inputs()
    print(jax.jit(kernel)(*tuple(_d.values())))

</pallas_src>

<mosaic_0001>
#map = affine_map<(d0, d1) -> (0)>
module attributes {stable_mosaic.version = 14 : i64} {
  func.func @_body(%arg0: i32, %arg1: i32, %arg2: memref<5120xf32, #tpu.memory_space<hbm>>, %arg3: memref<5120xi32, #tpu.memory_space<hbm>>, %arg4: memref<5120xi32, #tpu.memory_space<hbm>>, %arg5: memref<5120xi32, #tpu.memory_space<hbm>>, %arg6: memref<5120xi32, #tpu.memory_space<hbm>>, %arg7: memref<5120xf32, #tpu.memory_space<hbm>>, %arg8: memref<320xf32, #tpu.memory_space<vmem>>, %arg9: memref<320xi32, #tpu.memory_space<vmem>>, %arg10: memref<320xi32, #tpu.memory_space<vmem>>, %arg11: memref<272xi32, #tpu.memory_space<vmem>>, %arg12: memref<16x256xi32, #tpu.memory_space<vmem>>, %arg13: memref<256xi32, #tpu.memory_space<vmem>>, %arg14: memref<288xi32, #tpu.memory_space<vmem>>, %arg15: memref<272xi32, #tpu.memory_space<vmem>>, %arg16: memref<4x80xi32, #tpu.memory_space<vmem>>, %arg17: memref<5152xf32, #tpu.memory_space<vmem>>, %arg18: memref<5152xi32, #tpu.memory_space<vmem>>, %arg19: memref<160xi32, #tpu.memory_space<vmem>>, %arg20: memref<160xi32, #tpu.memory_space<vmem>>, %arg21: memref<160xi32, #tpu.memory_space<vmem>>, %arg22: memref<160xi32, #tpu.memory_space<vmem>>, %arg23: memref<160xf32, #tpu.memory_space<vmem>>, %arg24: memref<2x80xi32, #tpu.memory_space<vmem>>, %arg25: memref<16x256xi32, #tpu.memory_space<vmem_shared>>, %arg26: memref<5120xf32, #tpu.memory_space<vmem_shared>>, %arg27: memref<5120xi32, #tpu.memory_space<vmem_shared>>) attributes {dimension_semantics = [#tpu.dimension_semantics<core_parallel>, #tpu.dimension_semantics<subcore_parallel>], iteration_bounds = array<i64: 2, 16>, scalar_prefetch = 0 : i64, scratch_operands = 20 : i64, tpu.core_type = #tpu.core_type<sc_vector_subcore>, window_params = [{transform_indices = #map}, {transform_indices = #map}, {transform_indices = #map}, {transform_indices = #map}, {transform_indices = #map}, {transform_indices = #map}]} {
    %mul3A = arith.constant 320 : i32
    %mul3A_0 = arith.muli %arg1, %mul3A : i32
    %multiple_of3A = tpu.assume_multiple %mul3A_0, 320 : i32
    %mul3A_1 = arith.constant 16 : i32
    %mul3A_2 = arith.muli %arg0, %mul3A_1 : i32
    %add3A = arith.addi %mul3A_2, %arg1 : i32
    %mul3A_3 = arith.constant 160 : i32
    %mul3A_4 = arith.muli %add3A, %mul3A_3 : i32
    %multiple_of3A_5 = tpu.assume_multiple %mul3A_4, 160 : i32
    %iota3A = tpu.iota {dimensions = array<i32: 0>} : vector<16xi32>
    %eq3A = arith.constant 0 : i32
    %eq3A_6 = vector.broadcast %eq3A : i32 to vector<16xi32>
    %eq3A_7 = arith.cmpi eq, %iota3A, %eq3A_6 : vector<16xi32>
    %jit3A = arith.constant 1 : i32
    %jit3A_8 = arith.constant 0 : i32
    %broadcast_in_dim3A = vector.broadcast %jit3A : i32 to vector<16xi32>
    %broadcast_in_dim3A_9 = vector.broadcast %jit3A_8 : i32 to vector<16xi32>
    %select_n3A = arith.select %eq3A_7, %broadcast_in_dim3A, %broadcast_in_dim3A_9 : vector<16xi1>, vector<16xi32>
    %broadcast_in_dim3A_10 = arith.constant 0 : i32
    %broadcast_in_dim3A_11 = vector.broadcast %broadcast_in_dim3A_10 : i32 to vector<16xi32>
    %add3A_12 = arith.constant 0 : i32
    %add3A_13 = arith.addi %multiple_of3A_5, %add3A_12 : i32
    %add3A_14 = arith.constant 0 : i32
    %add3A_15 = arith.addi %add3A_13, %add3A_14 : i32
    %add3A_16 = vector.broadcast %add3A_15 : i32 to vector<16xi32>
    %add3A_17 = arith.addi %add3A_16, %iota3A : vector<16xi32>
    %swap3A = arith.constant 0 : i32
    %swap3A_18 = arith.index_cast %swap3A : i32 to index
    %swap3A_19 = arith.constant 0 : index
    %swap3A_20 = tpu.vector_load %arg24[%swap3A_18, %swap3A_19] {strides = array<i32>} : memref<2x80xi32, #tpu.memory_space<vmem>>, vector<1x16xi32>,
    %swap3A_21 = vector.shape_cast %swap3A_20 : vector<1x16xi32> to vector<16xi32>
    %swap3A_22 = vector.shape_cast %add3A_17 : vector<16xi32> to vector<1x16xi32>
    tpu.vector_store %arg24[%swap3A_18, %swap3A_19], %swap3A_22 {strides = array<i32>} : memref<2x80xi32, #tpu.memory_space<vmem>>, vector<1x16xi32>,
    %add3A_23 = arith.constant 0 : i32
    %add3A_24 = arith.addi %multiple_of3A_5, %add3A_23 : i32
    %add3A_25 = arith.constant 16 : i32
    %add3A_26 = arith.addi %add3A_24, %add3A_25 : i32
    %add3A_27 = vector.broadcast %add3A_26 : i32 to vector<16xi32>
    %add3A_28 = arith.addi %add3A_27, %iota3A : vector<16xi32>
    %swap3A_29 = arith.constant 0 : i32
    %swap3A_30 = arith.index_cast %swap3A_29 : i32 to index
    %swap3A_31 = arith.constant 16 : index
    %swap3A_32 = tpu.vector_load %arg24[%swap3A_30, %swap3A_31] {strides = array<i32>} : memref<2x80xi32, #tpu.memory_space<vmem>>, vector<1x16xi32>,
    %swap3A_33 = vector.shape_cast %swap3A_32 : vector<1x16xi32> to vector<16xi32>
    %swap3A_34 = vector.shape_cast %add3A_28 : vector<16xi32> to vector<1x16xi32>
    tpu.vector_store %arg24[%swap3A_30, %swap3A_31], %swap3A_34 {strides = array<i32>} : memref<2x80xi32, #tpu.memory_space<vmem>>, vector<1x16xi32>,
    %add3A_35 = arith.constant 0 : i32
    %add3A_36 = arith.addi %multiple_of3A_5, %add3A_35 : i32
    %add3A_37 = arith.constant 32 : i32
    %add3A_38 = arith.addi %add3A_36, %add3A_37 : i32
    %add3A_39 = vector.broadcast %add3A_38 : i32 to vector<16xi32>
    %add3A_40 = arith.addi %add3A_39, %iota3A : vector<16xi32>
    %swap3A_41 = arith.constant 0 : i32
    %swap3A_42 = arith.index_cast %swap3A_41 : i32 to index
    %swap3A_43 = arith.constant 32 : index
    %swap3A_44 = tpu.vector_load %arg24[%swap3A_42, %swap3A_43] {strides = array<i32>} : memref<2x80xi32, #tpu.memory_space<vmem>>, vector<1x16xi32>,
    %swap3A_45 = vector.shape_cast %swap3A_44 : vector<1x16xi32> to vector<16xi32>
    %swap3A_46 = vector.shape_cast %add3A_40 : vector<16xi32> to vector<1x16xi32>
    tpu.vector_store %arg24[%swap3A_42, %swap3A_43], %swap3A_46 {strides = array<i32>} : memref<2x80xi32, #tpu.memory_space<vmem>>, vector<1x16xi32>,
    %add3A_47 = arith.constant 0 : i32
    %add3A_48 = arith.addi %multiple_of3A_5, %add3A_47 : i32
    %add3A_49 = arith.constant 48 : i32
    %add3A_50 = arith.addi %add3A_48, %add3A_49 : i32
    %add3A_51 = vector.broadcast %add3A_50 : i32 to vector<16xi32>
    %add3A_52 = arith.addi %add3A_51, %iota3A : vector<16xi32>
    %swap3A_53 = arith.constant 0 : i32
    %swap3A_54 = arith.index_cast %swap3A_53 : i32 to index
    %swap3A_55 = arith.constant 48 : index
    %swap3A_56 = tpu.vector_load %arg24[%swap3A_54, %swap3A_55] {strides = array<i32>} : memref<2x80xi32, #tpu.memory_space<vmem>>, vector<1x16xi32>,
    %swap3A_57 = vector.shape_cast %swap3A_56 : vector<1x16xi32> to vector<16xi32>
    %swap3A_58 = vector.shape_cast %add3A_52 : vector<16xi32> to vector<1x16xi32>
    tpu.vector_store %arg24[%swap3A_54, %swap3A_55], %swap3A_58 {strides = array<i32>} : memref<2x80xi32, #tpu.memory_space<vmem>>, vector<1x16xi32>,
    %add3A_59 = arith.constant 0 : i32
    %add3A_60 = arith.addi %multiple_of3A_5, %add3A_59 : i32
    %add3A_61 = arith.constant 64 : i32
    %add3A_62 = arith.addi %add3A_60, %add3A_61 : i32
    %add3A_63 = vector.broadcast %add3A_62 : i32 to vector<16xi32>
    %add3A_64 = arith.addi %add3A_63, %iota3A : vector<16xi32>
    %swap3A_65 = arith.constant 0 : i32
    %swap3A_66 = arith.index_cast %swap3A_65 : i32 to index
    %swap3A_67 = arith.constant 64 : index
    %swap3A_68 = tpu.vector_load %arg24[%swap3A_66, %swap3A_67] {strides = array<i32>} : memref<2x80xi32, #tpu.memory_space<vmem>>, vector<1x16xi32>,
    %swap3A_69 = vector.shape_cast %swap3A_68 : vector<1x16xi32> to vector<16xi32>
    %swap3A_70 = vector.shape_cast %add3A_64 : vector<16xi32> to vector<1x16xi32>
    tpu.vector_store %arg24[%swap3A_66, %swap3A_67], %swap3A_70 {strides = array<i32>} : memref<2x80xi32, #tpu.memory_space<vmem>>, vector<1x16xi32>,
    %add3A_71 = arith.constant 80 : i32
    %add3A_72 = arith.addi %multiple_of3A_5, %add3A_71 : i32
    %add3A_73 = arith.constant 0 : i32
    %add3A_74 = arith.addi %add3A_72, %add3A_73 : i32
    %add3A_75 = vector.broadcast %add3A_74 : i32 to vector<16xi32>
    %add3A_76 = arith.addi %add3A_75, %iota3A : vector<16xi32>
    %swap3A_77 = arith.constant 1 : i32
    %swap3A_78 = arith.index_cast %swap3A_77 : i32 to index
    %swap3A_79 = arith.constant 0 : index
    %swap3A_80 = tpu.vector_load %arg24[%swap3A_78, %swap3A_79] {strides = array<i32>} : memref<2x80xi32, #tpu.memory_space<vmem>>, vector<1x16xi32>,
    %swap3A_81 = vector.shape_cast %swap3A_80 : vector<1x16xi32> to vector<16xi32>
    %swap3A_82 = vector.shape_cast %add3A_76 : vector<16xi32> to vector<1x16xi32>
    tpu.vector_store %arg24[%swap3A_78, %swap3A_79], %swap3A_82 {strides = array<i32>} : memref<2x80xi32, #tpu.memory_space<vmem>>, vector<1x16xi32>,
    %add3A_83 = arith.constant 80 : i32
    %add3A_84 = arith.addi %multiple_of3A_5, %add3A_83 : i32
    %add3A_85 = arith.constant 16 : i32
    %add3A_86 = arith.addi %add3A_84, %add3A_85 : i32
    %add3A_87 = vector.broadcast %add3A_86 : i32 to vector<16xi32>
    %add3A_88 = arith.addi %add3A_87, %iota3A : vector<16xi32>
    %swap3A_89 = arith.constant 1 : i32
    %swap3A_90 = arith.index_cast %swap3A_89 : i32 to index
    %swap3A_91 = arith.constant 16 : index
    %swap3A_92 = tpu.vector_load %arg24[%swap3A_90, %swap3A_91] {strides = array<i32>} : memref<2x80xi32, #tpu.memory_space<vmem>>, vector<1x16xi32>,
    %swap3A_93 = vector.shape_cast %swap3A_92 : vector<1x16xi32> to vector<16xi32>
    %swap3A_94 = vector.shape_cast %add3A_88 : vector<16xi32> to vector<1x16xi32>
    tpu.vector_store %arg24[%swap3A_90, %swap3A_91], %swap3A_94 {strides = array<i32>} : memref<2x80xi32, #tpu.memory_space<vmem>>, vector<1x16xi32>,
    %add3A_95 = arith.constant 80 : i32
    %add3A_96 = arith.addi %multiple_of3A_5, %add3A_95 : i32
    %add3A_97 = arith.constant 32 : i32
    %add3A_98 = arith.addi %add3A_96, %add3A_97 : i32
    %add3A_99 = vector.broadcast %add3A_98 : i32 to vector<16xi32>
    %add3A_100 = arith.addi %add3A_99, %iota3A : vector<16xi32>
    %swap3A_101 = arith.constant 1 : i32
    %swap3A_102 = arith.index_cast %swap3A_101 : i32 to index
    %swap3A_103 = arith.constant 32 : index
    %swap3A_104 = tpu.vector_load %arg24[%swap3A_102, %swap3A_103] {strides = array<i32>} : memref<2x80xi32, #tpu.memory_space<vmem>>, vector<1x16xi32>,
    %swap3A_105 = vector.shape_cast %swap3A_104 : vector<1x16xi32> to vector<16xi32>
    %swap3A_106 = vector.shape_cast %add3A_100 : vector<16xi32> to vector<1x16xi32>
    tpu.vector_store %arg24[%swap3A_102, %swap3A_103], %swap3A_106 {strides = array<i32>} : memref<2x80xi32, #tpu.memory_space<vmem>>, vector<1x16xi32>,
    %add3A_107 = arith.constant 80 : i32
    %add3A_108 = arith.addi %multiple_of3A_5, %add3A_107 : i32
    %add3A_109 = arith.constant 48 : i32
    %add3A_110 = arith.addi %add3A_108, %add3A_109 : i32
    %add3A_111 = vector.broadcast %add3A_110 : i32 to vector<16xi32>
    %add3A_112 = arith.addi %add3A_111, %iota3A : vector<16xi32>
    %swap3A_113 = arith.constant 1 : i32
    %swap3A_114 = arith.index_cast %swap3A_113 : i32 to index
    %swap3A_115 = arith.constant 48 : index
    %swap3A_116 = tpu.vector_load %arg24[%swap3A_114, %swap3A_115] {strides = array<i32>} : memref<2x80xi32, #tpu.memory_space<vmem>>, vector<1x16xi32>,
    %swap3A_117 = vector.shape_cast %swap3A_116 : vector<1x16xi32> to vector<16xi32>
    %swap3A_118 = vector.shape_cast %add3A_112 : vector<16xi32> to vector<1x16xi32>
    tpu.vector_store %arg24[%swap3A_114, %swap3A_115], %swap3A_118 {strides = array<i32>} : memref<2x80xi32, #tpu.memory_space<vmem>>, vector<1x16xi32>,
    %add3A_119 = arith.constant 80 : i32
    %add3A_120 = arith.addi %multiple_of3A_5, %add3A_119 : i32
    %add3A_121 = arith.constant 64 : i32
    %add3A_122 = arith.addi %add3A_120, %add3A_121 : i32
    %add3A_123 = vector.broadcast %add3A_122 : i32 to vector<16xi32>
    %add3A_124 = arith.addi %add3A_123, %iota3A : vector<16xi32>
    %swap3A_125 = arith.constant 1 : i32
    %swap3A_126 = arith.index_cast %swap3A_125 : i32 to index
    %swap3A_127 = arith.constant 64 : index
    %swap3A_128 = tpu.vector_load %arg24[%swap3A_126, %swap3A_127] {strides = array<i32>} : memref<2x80xi32, #tpu.memory_space<vmem>>, vector<1x16xi32>,
    %swap3A_129 = vector.shape_cast %swap3A_128 : vector<1x16xi32> to vector<16xi32>
    %swap3A_130 = vector.shape_cast %add3A_124 : vector<16xi32> to vector<1x16xi32>
    tpu.vector_store %arg24[%swap3A_126, %swap3A_127], %swap3A_130 {strides = array<i32>} : memref<2x80xi32, #tpu.memory_space<vmem>>, vector<1x16xi32>,
    "tpu.region"() ({
      %run_scoped3A = tpu.sem_alloc : memref<!tpu.dma_semaphore, #tpu.memory_space<semaphore_mem>>
      %dma_start3A = tpu.memref_slice %arg3[%multiple_of3A_5] : memref<5120xi32, #tpu.memory_space<hbm>> -> memref<160xi32, #tpu.memory_space<hbm>>
      %dma_start3A_131 = tpu.memref_slice %arg3[%multiple_of3A_5] : memref<5120xi32, #tpu.memory_space<hbm>> -> memref<160xi32, #tpu.memory_space<hbm>>
      tpu.enqueue_dma source(%arg19 : memref<160xi32, #tpu.memory_space<vmem>>) target(%dma_start3A_131 : memref<160xi32, #tpu.memory_space<hbm>>) target_semaphore(%run_scoped3A : memref<!tpu.dma_semaphore, #tpu.memory_space<semaphore_mem>>)
      %dma_wait3A = tpu.memref_slice %arg3[%multiple_of3A_5] : memref<5120xi32, #tpu.memory_space<hbm>> -> memref<160xi32, #tpu.memory_space<hbm>>
      %dma_wait3A_132 = tpu.memref_slice %arg3[%multiple_of3A_5] : memref<5120xi32, #tpu.memory_space<hbm>> -> memref<160xi32, #tpu.memory_space<hbm>>
      tpu.wait_dma2 semaphore(%run_scoped3A : memref<!tpu.dma_semaphore, #tpu.memory_space<semaphore_mem>>) src(%arg19 : memref<160xi32, #tpu.memory_space<vmem>>) dst(%dma_wait3A_132 : memref<160xi32, #tpu.memory_space<hbm>>)
      tpu.yield
    }) : () -> ()
    "tpu.region"() ({
      %run_scoped3A = tpu.sem_alloc : memref<!tpu.dma_semaphore, #tpu.memory_space<semaphore_mem>>
      %dma_start3A = tpu.memref_slice %arg4[%multiple_of3A_5] : memref<5120xi32, #tpu.memory_space<hbm>> -> memref<160xi32, #tpu.memory_space<hbm>>
      %dma_start3A_131 = tpu.memref_slice %arg4[%multiple_of3A_5] : memref<5120xi32, #tpu.memory_space<hbm>> -> memref<160xi32, #tpu.memory_space<hbm>>
      tpu.enqueue_dma source(%arg20 : memref<160xi32, #tpu.memory_space<vmem>>) target(%dma_start3A_131 : memref<160xi32, #tpu.memory_space<hbm>>) target_semaphore(%run_scoped3A : memref<!tpu.dma_semaphore, #tpu.memory_space<semaphore_mem>>)
      %dma_wait3A = tpu.memref_slice %arg4[%multiple_of3A_5] : memref<5120xi32, #tpu.memory_space<hbm>> -> memref<160xi32, #tpu.memory_space<hbm>>
      %dma_wait3A_132 = tpu.memref_slice %arg4[%multiple_of3A_5] : memref<5120xi32, #tpu.memory_space<hbm>> -> memref<160xi32, #tpu.memory_space<hbm>>
      tpu.wait_dma2 semaphore(%run_scoped3A : memref<!tpu.dma_semaphore, #tpu.memory_space<semaphore_mem>>) src(%arg20 : memref<160xi32, #tpu.memory_space<vmem>>) dst(%dma_wait3A_132 : memref<160xi32, #tpu.memory_space<hbm>>)
      tpu.yield
    }) : () -> ()
    "tpu.region"() ({
      %run_scoped3A = tpu.sem_alloc : memref<!tpu.dma_semaphore, #tpu.memory_space<semaphore_mem>>
      %dma_start3A = tpu.memref_slice %arg5[%multiple_of3A_5] : memref<5120xi32, #tpu.memory_space<hbm>> -> memref<160xi32, #tpu.memory_space<hbm>>
      %dma_start3A_131 = tpu.memref_slice %arg5[%multiple_of3A_5] : memref<5120xi32, #tpu.memory_space<hbm>> -> memref<160xi32, #tpu.memory_space<hbm>>
      tpu.enqueue_dma source(%arg21 : memref<160xi32, #tpu.memory_space<vmem>>) target(%dma_start3A_131 : memref<160xi32, #tpu.memory_space<hbm>>) target_semaphore(%run_scoped3A : memref<!tpu.dma_semaphore, #tpu.memory_space<semaphore_mem>>)
      %dma_wait3A = tpu.memref_slice %arg5[%multiple_of3A_5] : memref<5120xi32, #tpu.memory_space<hbm>> -> memref<160xi32, #tpu.memory_space<hbm>>
      %dma_wait3A_132 = tpu.memref_slice %arg5[%multiple_of3A_5] : memref<5120xi32, #tpu.memory_space<hbm>> -> memref<160xi32, #tpu.memory_space<hbm>>
      tpu.wait_dma2 semaphore(%run_scoped3A : memref<!tpu.dma_semaphore, #tpu.memory_space<semaphore_mem>>) src(%arg21 : memref<160xi32, #tpu.memory_space<vmem>>) dst(%dma_wait3A_132 : memref<160xi32, #tpu.memory_space<hbm>>)
      tpu.yield
    }) : () -> ()
    "tpu.region"() ({
      %run_scoped3A = tpu.sem_alloc : memref<!tpu.dma_semaphore, #tpu.memory_space<semaphore_mem>>
      %dma_start3A = tpu.memref_slice %arg6[%multiple_of3A_5] : memref<5120xi32, #tpu.memory_space<hbm>> -> memref<160xi32, #tpu.memory_space<hbm>>
      %dma_start3A_131 = tpu.memref_slice %arg6[%multiple_of3A_5] : memref<5120xi32, #tpu.memory_space<hbm>> -> memref<160xi32, #tpu.memory_space<hbm>>
      tpu.enqueue_dma source(%arg22 : memref<160xi32, #tpu.memory_space<vmem>>) target(%dma_start3A_131 : memref<160xi32, #tpu.memory_space<hbm>>) target_semaphore(%run_scoped3A : memref<!tpu.dma_semaphore, #tpu.memory_space<semaphore_mem>>)
      %dma_wait3A = tpu.memref_slice %arg6[%multiple_of3A_5] : memref<5120xi32, #tpu.memory_space<hbm>> -> memref<160xi32, #tpu.memory_space<hbm>>
      %dma_wait3A_132 = tpu.memref_slice %arg6[%multiple_of3A_5] : memref<5120xi32, #tpu.memory_space<hbm>> -> memref<160xi32, #tpu.memory_space<hbm>>
      tpu.wait_dma2 semaphore(%run_scoped3A : memref<!tpu.dma_semaphore, #tpu.memory_space<semaphore_mem>>) src(%arg22 : memref<160xi32, #tpu.memory_space<vmem>>) dst(%dma_wait3A_132 : memref<160xi32, #tpu.memory_space<hbm>>)
      tpu.yield
    }) : () -> ()
    "tpu.region"() ({
      %run_scoped3A = tpu.sem_alloc : memref<!tpu.dma_semaphore, #tpu.memory_space<semaphore_mem>>
      %dma_start3A = tpu.memref_slice %arg7[%multiple_of3A_5] : memref<5120xf32, #tpu.memory_space<hbm>> -> memref<160xf32, #tpu.memory_space<hbm>>
      %dma_start3A_131 = tpu.memref_slice %arg7[%multiple_of3A_5] : memref<5120xf32, #tpu.memory_space<hbm>> -> memref<160xf32, #tpu.memory_space<hbm>>
      tpu.enqueue_dma source(%arg23 : memref<160xf32, #tpu.memory_space<vmem>>) target(%dma_start3A_131 : memref<160xf32, #tpu.memory_space<hbm>>) target_semaphore(%run_scoped3A : memref<!tpu.dma_semaphore, #tpu.memory_space<semaphore_mem>>)
      %dma_wait3A = tpu.memref_slice %arg7[%multiple_of3A_5] : memref<5120xf32, #tpu.memory_space<hbm>> -> memref<160xf32, #tpu.memory_space<hbm>>
      %dma_wait3A_132 = tpu.memref_slice %arg7[%multiple_of3A_5] : memref<5120xf32, #tpu.memory_space<hbm>> -> memref<160xf32, #tpu.memory_space<hbm>>
      tpu.wait_dma2 semaphore(%run_scoped3A : memref<!tpu.dma_semaphore, #tpu.memory_space<semaphore_mem>>) src(%arg23 : memref<160xf32, #tpu.memory_space<vmem>>) dst(%dma_wait3A_132 : memref<160xf32, #tpu.memory_space<hbm>>)
      tpu.yield
    }) : () -> ()
    return
  }
}

</mosaic_0001>

<sc_bundles>
// kernel: kernel.3.cloned.1.call-start
scs
__scs_entry_jumppad:
0x0: {  	(pc) =	sbr.rel $0x88, $3  }
0x1: {  	(tag) =	ssettag $0x0;
	lr =	simm.s32 $0x1  }
0x2: {  	[smem:$0x3FA0] =	sst lr;
	_ =	strace $0xD0000000  }
0x3: {  	_ = 	snop  }
0x4: {  	_ = 	snop  }
0x5: {  	_ = 	snop  }
0x6: {  	_ = 	snop  }
0x7: {  	_ = 	snop  }
__scs_overlays_trampoline_lowered:
0x8: {  	[smem:$0x3FAF] =	sst s0  }
0x9: {  	[smem:$0x3FB0] =	sst s1  }
0xa: {  	[smem:$0x3FB1] =	sst s2  }
0xb: {  	[smem:$0x3FB2] =	sst s3  }
0xc: {  	[smem:$0x3FB3] =	sst s4  }
0xd: {  	[smem:$0x3FB4] =	sst s5  }
0xe: {  	[smem:$0x3FB5] =	sst s6  }
0xf: {  	[smem:$0x3FB6] =	sst s7  }
0x10: {  	[smem:$0x3FB7] =	sst s8  }
0x11: {  	[smem:$0x3FB8] =	sst s9;
	s0 =	simm.s32 @!p0 $0x0  }
0x12: {  	s1 =	sld [smem:$0x3F9E];
	s0 =	simm.s32 @p0 $0x1  }
0x13: {  	[smem:$0x3FB9] =	sst s0;
	s0 =	simm.s32 @!p1 $0x0  }
0x14: {  	s2 =	sld [smem:$0x3F9D];
	s0 =	simm.s32 @p1 $0x1  }
0x15: {  	[smem:$0x3FBA] =	sst s0;
	s0 =	simm.s32 @!p2 $0x0  }
0x16: {  	s3 =	sld [smem:$0x3FDB];
	s0 =	simm.s32 @p2 $0x1  }
0x17: {  	s4 =	simm.s32 $0x1BF5;
	[smem:$0x3FBC] =	sst s0  }
0x18: {  	s0 =	sld [smem:$0x3F9F];
	_ =	swait.ge [sflag:s4], $0x0  }
0x19: {  	s7 =	sld [smem:$0x3FA0]  }
0x1a: {  	s8 =	sadd.s32 $0xFFFFE003, lr  }
0x1b: {  	s9 =	sadd.s32 $0xFFFFFEF7, lr;
	s5 =	simm.s32 $0xFFFFFFFF;
	p2 =	slt.u32 s8, $0xFFFFF086  }
0x1c: {  	p1 =	slt.u32 s9, $0xF7A;
	s5 =	simm.s32 @!p2 $0x0  }
0x1d: {  	s5 =	simm.s32 @p1 $0x1;
	p0 =	seq.s32 s7, s2  }
0x1e: {  	s7 =	smul.u32 @!p0 $0xF7A, s2;
	p2 =	seq.s32 @!p0 s5, $0x0  }
0x1f: {  	s9 =	smul.u32 $0xF7A, s1;
	s8 =	simm.s32 @!p0 $0x1BF5;
	p2 =	por !p2, p0  }
0x20: {  	[sflag:s8] =	ssyncset.s32 @!p0 $0xFFFFF086;
	s6 =	sadd.s32 @!p0 s3, s7;
	s7 =	simm.s32 @!p0 $0x108  }
0x21: {  	s3 =	sadd.s32 s3, s9;
	s6 =	sadd.s32 @!p0 $0x88, s6;
	s7 =	simm.s32 @p2 $0x1082  }
0x22: {  	[simem:s7], [sflag:s8] =	dma.local @!p0 [hbm:s6], $0xF7A  }
0x23: {  	s9 =	sor.u32 $0xD0000000, s2;
	s6 =	simm.s32 $0x108;
	_ =	swait.ge @!p0 [sflag:s8], $0x0  }
0x24: {  	s3 =	sadd.s32 $0x88, s3;
	s6 =	simm.s32 @!p1 $0x1082;
	[sflag:s4] =	ssyncset.s32 $0xFFFFF086  }
0x25: {  	[simem:s6], [sflag:s4] =	dma.local [hbm:s3], $0xF7A  }
0x26: {  	[smem:$0x3FA0] =	sst s1;
	(tag) =	ssettag s2;
	_ =	strace s9  }
0x27: {  	s1 =	sld [smem:$0x3FB0]  }
0x28: {  	s2 =	sld [smem:$0x3FB1]  }
0x29: {  	s4 =	sld [smem:$0x3FB3]  }
0x2a: {  	p0 =	seq.s32 s5, $0x0;
	s5 =	sld [smem:$0x3FB4]  }
0x2b: {  	s6 =	sld [smem:$0x3FB5]  }
0x2c: {  	s7 =	sld [smem:$0x3FB6]  }
0x2d: {  	s3 =	simm.s32 $0x108;
	s8 =	sld [smem:$0x3FB7]  }
0x2e: {  	s3 =	simm.s32 @!p0 $0x1082;
	s9 =	sld [smem:$0x3FB8]  }
0x2f: {  	lr =	sadd.s32 s0, s3;
	s0 =	sld [smem:$0x3FAF]  }
0x30: {  	s3 =	sld [smem:$0x3FB2]  }
0x31: {  	[smem:$0x3FBB] =	sst s10  }
0x32: {  	s10 =	sld [smem:$0x3FB9];
	_ =	sdelay $0x3  }
0x33: {  	p0 =	seq.s32 s10, $0x1;
	s10 =	sld [smem:$0x3FBB];
	_ =	sdelay $0x3  }
0x34: {  	[smem:$0x3FBB] =	sst s10  }
0x35: {  	s10 =	sld [smem:$0x3FBA];
	_ =	sdelay $0x3  }
0x36: {  	p1 =	seq.s32 s10, $0x1;
	s10 =	sld [smem:$0x3FBB];
	_ =	sdelay $0x3  }
0x37: {  	[smem:$0x3FBB] =	sst s10  }
0x38: {  	s10 =	sld [smem:$0x3FBC]  }
0x39: {  	_ = 	snop;
	(pc) =	sbr.ind lr, $3  }
0x3a: {  	_ = 	snop  }
0x3b: {  	_ = 	snop  }
0x3c: {  	p2 =	seq.s32 s10, $0x1;
	s10 =	sld [smem:$0x3FBB]  }
0x3d: {  	_ =	shalt  }
0x3e: {  	_ =	shalt  }
0x3f: {  	_ =	shalt  }
0x40: {  	_ =	shalt  }
0x41: {  	_ =	shalt  }
0x42: {  	_ =	shalt  }
0x43: {  	_ =	shalt  }
0x44: {  	_ =	shalt  }
0x45: {  	_ =	shalt  }
0x46: {  	_ =	shalt  }
0x47: {  	_ =	shalt  }
0x48: {  	_ =	shalt  }
0x49: {  	_ =	shalt  }
0x4a: {  	_ =	shalt  }
0x4b: {  	_ =	shalt  }
0x4c: {  	_ =	shalt  }
0x4d: {  	_ =	shalt  }
0x4e: {  	_ =	shalt  }
0x4f: {  	_ =	shalt  }
0x50: {  	_ =	shalt  }
0x51: {  	_ =	shalt  }
0x52: {  	_ =	shalt  }
0x53: {  	_ =	shalt  }
0x54: {  	_ =	shalt  }
0x55: {  	_ =	shalt  }
0x56: {  	_ =	shalt  }
0x57: {  	_ =	shalt  }
0x58: {  	_ =	shalt  }
0x59: {  	_ =	shalt  }
0x5a: {  	_ =	shalt  }
0x5b: {  	_ =	shalt  }
0x5c: {  	_ =	shalt  }
0x5d: {  	_ =	shalt  }
0x5e: {  	_ =	shalt  }
0x5f: {  	_ =	shalt  }
0x60: {  	_ =	shalt  }
0x61: {  	_ =	shalt  }
0x62: {  	_ =	shalt  }
0x63: {  	_ =	shalt  }
0x64: {  	_ =	shalt  }
0x65: {  	_ =	shalt  }
0x66: {  	_ =	shalt  }
0x67: {  	_ =	shalt  }
0x68: {  	_ =	shalt  }
0x69: {  	_ =	shalt  }
0x6a: {  	_ =	shalt  }
0x6b: {  	_ =	shalt  }
0x6c: {  	_ =	shalt  }
0x6d: {  	_ =	shalt  }
0x6e: {  	_ =	shalt  }
0x6f: {  	_ =	shalt  }
0x70: {  	_ =	shalt  }
0x71: {  	_ =	shalt  }
0x72: {  	_ =	shalt  }
0x73: {  	_ =	shalt  }
0x74: {  	_ =	shalt  }
0x75: {  	_ =	shalt  }
0x76: {  	_ =	shalt  }
0x77: {  	_ =	shalt  }
0x78: {  	_ =	shalt  }
0x79: {  	_ =	shalt  }
0x7a: {  	_ =	shalt  }
0x7b: {  	_ =	shalt  }
0x7c: {  	_ =	shalt  }
0x7d: {  	_ =	shalt  }
0x7e: {  	_ =	shalt  }
0x7f: {  	_ =	shalt  }
0x80: {  	_ =	shalt  }
0x81: {  	_ =	shalt  }
0x82: {  	_ =	shalt  }
0x83: {  	_ =	shalt  }
0x84: {  	_ =	shalt  }
0x85: {  	_ =	shalt  }
0x86: {  	_ =	shalt  }
0x87: {  	_ =	shalt  }
.Lfunc_end0:
.L_simem_size_0:
called_computation_lowered:
.L_overlay_start_0:
0x88: {  	s2 =	sld [smem:$0x3FD9]  }
0x89: {  	s3 =	sld [smem:$0x3FFE];
	_ =	sdelay $0x1  }
0x8a: {  	s1 =	srdreg.scid  }
0x8b: {  	s0 =	sand.u32 $0x1, s1  }
0x8c: {  	s14 =	sshll.u32 s0, $0xA;
	s2 =	sadd.s32 s3, s2  }
0x8d: {  	s2 =	sadd.s32 s2, s14  }
0x8e: {  	[smem:$0x3FC7] =	sst s2  }
0x8f: {  	_ = 	snop  }
0x90: {  	s2 =	sld [smem:$0x3FD0];
	_ =	sdelay $0x2  }
0x91: {  	s15 =	simm.s32 $0xA;
	s4 =	simm.s32 $0x10  }
0x92: {  	[smem:s4], [sflag:s15] =	dma.local [hbm:s2], $0x1  }
0x93: {  	_ =	swait.eq [sflag:s15], $0x1  }
0x94: {  	[sflag:s15] =	ssyncset.done $0x0  }
0x95: {  	[sflag:s15] =	ssyncadd.s32 $0xFFFFFFFF  }
0x96: {  	s16 =	sld [smem:$0x10];
	(tm) =	ssettm $0x1  }
0x97: {  	s17 =	sld [smem:$0x3FFB];
	_ =	sdelay $0x3  }
0x98: {  	_ =	strace s17  }
0x99: {  	s3 =	sld [smem:$0x3FFC];
	_ =	sdelay $0x3  }
0x9a: {  	_ =	strace s3  }
0x9b: {  	s3 =	sld [smem:$0x3FFD];
	_ =	sdelay $0x3  }
0x9c: {  	_ =	strace s3  }
0x9d: {  	_ =	strace $0x8FFFFFFF  }
0x9e: {  	s18 =	sld [smem:$0x3FDB];
	_ =	sdelay $0x1  }
0x9f: {  	s19 =	simm.s32 $_scs_section_size  }
0xa0: {  	s5 =	simm.s32 $_size__tile_overlayer_lowered;
	s6 =	simm.s32 $_tile_overlayer_lowered  }
0xa1: {  	s22 =	simm.s32 $0x1BFF;
	s21 =	sshll.u32 s6, $0x1;
	s3 =	sadd.s32 s19, s18  }
0xa2: {  	s7 =	simm.s32 $0x0;
	s20 =	sshll.u32 s5, $0x1;
	s5 =	sadd.s32 s21, s3  }
0xa3: {  	[timem:s7], [sflag:s22] =	dma.local [hbm:s5], s20  }
0xa4: {  	_ =	swait.ge [sflag:s22], s20  }
0xa5: {  	s4 =	ssub.s32 $0x0, s20;
	[sflag:s22] =	ssyncset.done $0x0  }
0xa6: {  	[sflag:s22] =	ssyncadd.s32 s4;
	_ =	sdelay $0x1  }
0xa7: {  	s23 =	simm.s32 $0x1B8B  }
0xa8: {  	_ =	swait.ge [sflag:s23], $0x1  }
0xa9: {  	[sflag:s23] =	ssyncset.done $0x0  }
0xaa: {  	s25 =	simm.s32 $0x1B8E;
	s24 =	sld [smem:$0x3FFE];
	[sflag:s23] =	ssyncadd.s32 $0xFFFFFFFF  }
0xab: {  	s26 =	simm.s32 $execute0_lowered;
	[smem:$0x3FD2] =	sst s25  }
0xac: {  	s5 =	sshll.u32 s26, $0x1;
	_ =	strace $0x80000046;
	[dreg:$0x1] =	wrdreg $0xFFFFFFFF  }
0xad: {  	s28 =	simm.s32 $_size_execute0_lowered;
	s3 =	sadd.s32 s3, s5;
	[dreg:$0x0] =	wrdreg $0x0  }
0xae: {  	s5 =	sshll.u32 s28, $0x1;
	[dreg:$0x2] =	wrdreg s3  }
0xaf: {  	[dreg:$0x3] =	wrdreg s5  }
0xb0: {  	[dreg:$0x4] =	wrdreg $0xC0  }
0xb1: {  	_ =	task [dreg:s7], $0x5FFFF  }
0xb2: {  	[dreg:$0x1] =	wrdreg $0xFFFFFFFF  }
0xb3: {  	[dreg:$0x0] =	wrdreg $0x60  }
0xb4: {  	[dreg:$0x2] =	wrdreg s24  }
0xb5: {  	[dreg:$0x3] =	wrdreg s16  }
0xb6: {  	[dreg:$0x4] =	wrdreg $0x9  }
0xb7: {  	_ =	task.clear_ibuf [dreg:s7], $0x5FFFF;
	_ =	strace $0x90000046  }
0xb8: {  	s29 =	simm.s32 $0x9;
	_ =	strace $0x80000048  }
0xb9: {  	_ =	swait.ge [sflag:s29], $0x1  }
0xba: {  	[sflag:s29] =	ssyncadd.s32 $0xFFFFFFFF  }
0xbb: {  	_ =	strace $0x90000048  }
0xbc: {  	_ =	sfence  }
0xbd: {  	s30 =	sld [smem:$0x0];
	_ =	sdelay $0x2  }
0xbe: {  	s31 =	sshll.u32 s1, $0xD;
	s1 =	sshrl.u32 s1, $0x2  }
0xbf: {  	s3 =	sand.u32 $0x4000, s31;
	s1 =	sadd.s32 s1, s30  }
0xc0: {  	s0 =	sor.u32 s3, s0;
	s1 =	sshll.u32 s1, $0x11  }
0xc1: {  	s0 =	sor.u32 s1, s0  }
0xc2: {  	s0 =	sadd.s32 $0x8F2B, s0  }
0xc3: {  	[sflag:s0] =	ssyncadd.remote.s32 $0x1  }
0xc4: {  	_ =	sfence.sel $0xFFFF  }
0xc5: {  	[dreg:$0x0] =	wrdreg $0xFFFFFFFF;
	(pc) =	sbr.abs _section_cstart, $3  }
0xc6: {  	[dreg:$0x1] =	wrdreg $0xFFFFFFFF  }
0xc7: {  	_ =	task.clear_ibuf [dreg:s7], $0x2FFFF;
	_ =	strace $0x9FFFFFFF  }
0xc8: {  	(tm) =	ssettm $0x7FFFFFFF  }
0xc9: {  	_ =	shalt  }
tec
execute0_lowered:
.L_overlay_start_1:
0x0: {  	(tag) =	ssettag $0x1  }
0x1: {  	s0 =	srdreg.scid  }
0x2: {  	s9 =	sand.u32 $0x1, s0  }
0x3: {  	s0 =	stileid.u32;
	s1 =	sshll.u32 s9, $0x4  }
0x4: {  	s1 =	sor.u32 s0, s1  }
0x5: {  	s3 =	rddreg [dreg:$0x0];
	s4 =	smul.u32 $0xA0, s1  }
0x6: {  	s11 =	rddreg [dreg:$0x1];
	s2 =	simm.s32 $0x0;
	v9 =	vlaneseq.u32  }
0x7: {  	[smem:$0x7FF] =	sst s2;
	s5 =	sadd.s32 $0x20, s4;
	v3 =	vor.u32 s4, v9  }
0x8: {  	s1 =	rddreg [dreg:$0x2];
	_ =	strace $0x80000047;
	s25 =	sadd.s32 $0x30, s4;
	v0 =	vor.u32 s5, v9;
	[tilespmem:$0x500] =	vst v3  }
0x9: {  	s26 =	sadd.s32 $0x40, s4;
	v1 =	vor.u32 s25, v9;
	[tilespmem:$0x520] =	vst v0  }
0xa: {  	s28 =	sadd.s32 $0x90, s4;
	v2 =	vor.u32 s26, v9;
	[tilespmem:$0x530] =	vst v1  }
0xb: {  	s6 =	sadd.s32 $0x80, s4;
	v4 =	vor.u32 s28, v9;
	[tilespmem:$0x540] =	vst v2  }
0xc: {  	s29 =	sadd.s32 $0x70, s4;
	v5 =	vor.u32 s6, v9;
	[tilespmem:$0x5C0] =	vst v4  }
0xd: {  	s30 =	sadd.s32 $0x60, s4;
	v6 =	vor.u32 s29, v9;
	[tilespmem:$0x5B0] =	vst v5  }
0xe: {  	s31 =	sadd.s32 $0x50, s4;
	v7 =	vor.u32 s30, v9;
	[tilespmem:$0x5A0] =	vst v6  }
0xf: {  	s12 =	sshrl.u32 s4, $0x3;
	s4 =	sor.u32 $0x10, s4;
	v8 =	vor.u32 s31, v9;
	[tilespmem:$0x590] =	vst v7  }
0x10: {  	s10 =	sadd.s32 s12, s3;
	v9 =	vor.u32 s4, v9;
	[tilespmem:$0x580] =	vst v8  }
0x11: {  	s3 =	simm.s32 $0x1;
	s4 =	sadd.s32 $0xA00, s10;
	[tilespmem:$0x510] =	vst v9  }
0x12: {  	[hbm4b:s4+s2] =	stream.linear.scatter [tilespmem:s2], [sflag:$0x1], $0xA0, $0x38;
	[tilespmem:$0x600] =	vst v63  }
0x13: {  	_ =	swait.ge [sflag:s3], $0xA0  }
0x14: {  	[sflag:s3] =	ssyncset.done $0x0  }
0x15: {  	s6 =	simm.s32 $0x100;
	s5 =	sadd.s32 $0xE00, s10;
	[sflag:s3] =	ssyncadd.s32 $0xFFFFFF60  }
0x16: {  	[hbm4b:s5+s2] =	stream.linear.scatter [tilespmem:s6], [sflag:$0x1], $0xA0, $0x38;
	[tilespmem:$0x600] =	vst v63  }
0x17: {  	_ =	swait.ge [sflag:s3], $0xA0  }
0x18: {  	s8 =	simm.s32 $0x200;
	s13 =	ssub.s32 $0x2, s9;
	[sflag:s3] =	ssyncset.done $0x0  }
0x19: {  	s14 =	sshrl.u32 s13, $0x1;
	s7 =	sadd.s32 $0x1200, s10;
	[sflag:s3] =	ssyncadd.s32 $0xFFFFFF60  }
0x1a: {  	[hbm4b:s7+s2] =	stream.linear.scatter [tilespmem:s8], [sflag:$0x1], $0xA0, $0x38;
	[tilespmem:$0x600] =	vst v63  }
0x1b: {  	s13 =	ssub.s32 s13, s14;
	_ =	swait.ge [sflag:s3], $0xA0  }
0x1c: {  	s13 =	smax.u32 s13, $0x1;
	[sflag:s3] =	ssyncset.done $0x0  }
0x1d: {  	s9 =	sadd.s32 $0x1600, s10;
	s10 =	simm.s32 $0x300;
	[sflag:s3] =	ssyncadd.s32 $0xFFFFFF60  }
0x1e: {  	[hbm4b:s9+s2] =	stream.linear.scatter [tilespmem:s10], [sflag:$0x1], $0xA0, $0x38;
	[tilespmem:$0x600] =	vst v63  }
0x1f: {  	p0 =	sne.s32 s13, $0x1;
	_ =	swait.ge [sflag:s3], $0xA0  }
.Ltmp0:
0x20: {  	[sflag:s3] =	ssyncset.done $0x0;
	(pc) =	sbr.rel @!p0 .LBB2_2-.Ltmp0, $4  }
0x21: {  	s11 =	sadd.s32 s11, s12;
	s12 =	simm.s32 $0x400;
	[sflag:s3] =	ssyncadd.s32 $0xFFFFFF60  }
0x22: {  	[hbm4b:s11+s2] =	stream.linear.scatter [tilespmem:s12], [sflag:$0x1], $0xA0, $0x38;
	[tilespmem:$0x600] =	vst v63  }
0x23: {  	_ =	swait.ge [sflag:s3], $0xA0  }
0x24: {  	s13 =	sadd.s32 $0xFFFFFFFF, s13;
	[sflag:s3] =	ssyncset.done $0x0  }
.LBB2_1:
0x25: {  	p0 =	sne.s32 s13, $0x1;
	s13 =	sadd.s32 $0xFFFFFFFF, s13;
	[sflag:s3] =	ssyncadd.s32 $0xFFFFFF60  }
0x26: {  	[tilespmem:$0x520] =	vst v0  }
0x27: {  	[tilespmem:$0x530] =	vst v1  }
0x28: {  	[tilespmem:$0x540] =	vst v2  }
0x29: {  	[tilespmem:$0x500] =	vst v3  }
0x2a: {  	[tilespmem:$0x5C0] =	vst v4  }
0x2b: {  	[tilespmem:$0x5B0] =	vst v5  }
0x2c: {  	[tilespmem:$0x5A0] =	vst v6  }
0x2d: {  	[tilespmem:$0x590] =	vst v7  }
0x2e: {  	[tilespmem:$0x580] =	vst v8  }
0x2f: {  	[tilespmem:$0x510] =	vst v9  }
0x30: {  	[hbm4b:s4+s2] =	stream.linear.scatter [tilespmem:s2], [sflag:$0x1], $0xA0, $0x38;
	[tilespmem:$0x600] =	vst v63  }
0x31: {  	_ =	swait.ge [sflag:s3], $0xA0  }
0x32: {  	[sflag:s3] =	ssyncset.done $0x0  }
0x33: {  	[sflag:s3] =	ssyncadd.s32 $0xFFFFFF60  }
0x34: {  	[hbm4b:s5+s2] =	stream.linear.scatter [tilespmem:s6], [sflag:$0x1], $0xA0, $0x38;
	[tilespmem:$0x600] =	vst v63  }
0x35: {  	_ =	swait.ge [sflag:s3], $0xA0  }
0x36: {  	[sflag:s3] =	ssyncset.done $0x0  }
0x37: {  	[sflag:s3] =	ssyncadd.s32 $0xFFFFFF60  }
0x38: {  	[hbm4b:s7+s2] =	stream.linear.scatter [tilespmem:s8], [sflag:$0x1], $0xA0, $0x38;
	[tilespmem:$0x600] =	vst v63  }
0x39: {  	_ =	swait.ge [sflag:s3], $0xA0  }
0x3a: {  	[sflag:s3] =	ssyncset.done $0x0  }
0x3b: {  	[sflag:s3] =	ssyncadd.s32 $0xFFFFFF60  }
0x3c: {  	[hbm4b:s9+s2] =	stream.linear.scatter [tilespmem:s10], [sflag:$0x1], $0xA0, $0x38;
	[tilespmem:$0x600] =	vst v63  }
0x3d: {  	_ =	swait.ge [sflag:s3], $0xA0  }
.Ltmp1:
0x3e: {  	[sflag:s3] =	ssyncset.done $0x0;
	(pc) =	sbr.rel @p0 .LBB2_1-.Ltmp1, $4  }
0x3f: {  	[sflag:s3] =	ssyncadd.s32 $0xFFFFFF60  }
0x40: {  	[hbm4b:s11+s2] =	stream.linear.scatter [tilespmem:s12], [sflag:$0x1], $0xA0, $0x38;
	[tilespmem:$0x600] =	vst v63  }
0x41: {  	_ =	swait.ge [sflag:s3], $0xA0  }
0x42: {  	[sflag:s3] =	ssyncset.done $0x0  }
.LBB2_2:
0x43: {  	[sflag:s3] =	ssyncadd.s32 $0xFFFFFF60  }
0x44: {  	_ =	sfence.sel $0x180000  }
0x45: {  	[bflag:$0x0] =	sbarrier.arrive $0xFFFF  }
0x46: {  	p0 =	sne.s32 s0, $0x0;
	_ =	strace $0x90000047  }
0x47: {  	s0 =	sadd.s32 @!p0 $0x100000, s1;
	[bflag:$0x2] =	sbarrier.arrive $0xFFFF  }
0x48: {  	[sflag:s0] =	ssyncadd.tile.s32 @!p0 $0x1;
	_ =	shalt  }
.Lfunc_end2:
_tile_overlayer_lowered:
.L_overlay_start_2:
0x49: {  	(tag) =	ssettag $0x2  }
0x4a: {  	s0 =	rddreg [dreg:$0x0];
	s2 =	stileid.u32  }
0x4b: {  	s1 =	rddreg [dreg:$0x1];
	p0 =	sne.s32 s2, $0x0  }
0x4c: {  	s3 =	rddreg [dreg:$0x2];
	[bflag:$0x3] =	sbarrier.arrive $0xFFFF;
	s2 =	simm.s32 @!p0 $0x1C01  }
0x4d: {  	[timem:s3], [sflag:s2] =	dma.local @!p0 [hbm:s0], s1  }
0x4e: {  	s0 =	simm.s32 @!p0 $0x1  }
0x4f: {  	_ =	swait.ge @!p0 [sflag:s0], s1  }
0x50: {  	s1 =	ssub.s32 @!p0 $0x0, s1;
	[sflag:s0] =	ssyncset.done @!p0 $0x0  }
0x51: {  	[sflag:s0] =	ssyncadd.s32 @!p0 s1  }
0x52: {  	[bflag:$0x3] =	sbarrier.arrive $0xFFFF  }
0x53: {  	_ =	shalt  }

</sc_bundles>
